<compile_context>
chip_gen: v7x
topology: tpu7x:2x2x1
jax: 0.10.2.dev20260603
libtpu: 0.0.44.dev20260713+nightly
codegen_flags: <defaults>
</compile_context>

<pallas_src>
import functools

import jax
import jax.numpy as jnp
from jax import lax
from jax.experimental import pallas as pl
from jax.experimental.pallas import tpu as pltpu, tpu_sc as plsc

VOCAB = 100000
EMB_DIM = 128
BATCH = 16384
N_FIELDS = 26
B_TOTAL = BATCH * N_FIELDS

_info = plsc.get_sparse_core_info()
_NC, _NS = _info.num_cores, _info.num_subcores
NW = _NC * _NS
B_PER_W = B_TOTAL // NW
NBUF = 4
CHUNK = 208
NCHUNK = B_PER_W // CHUNK
NP = NCHUNK // NBUF

_mesh = plsc.VectorSubcoreMesh(core_axis_name="c", subcore_axis_name="s")


@functools.partial(
    pl.kernel,
    mesh=_mesh,
    out_type=jax.ShapeDtypeStruct((B_TOTAL, EMB_DIM), jnp.float32),
    scratch_types=(
        [pltpu.VMEM((B_PER_W,), jnp.int32)]
        + [pltpu.VMEM((CHUNK, EMB_DIM), jnp.float32) for _ in range(NBUF)]
        + [pltpu.SemaphoreType.DMA for _ in range(2 * NBUF)]
    ),
)
def _sc_gather(idx_hbm, table_hbm, out_hbm, *refs):
    idx_v = refs[0]
    rows_v = refs[1 : 1 + NBUF]
    sg = refs[1 + NBUF : 1 + 2 * NBUF]
    so = refs[1 + 2 * NBUF : 1 + 3 * NBUF]

    wid = lax.axis_index("s") * _NC + lax.axis_index("c")
    base = wid * B_PER_W

    pltpu.sync_copy(idx_hbm.at[pl.ds(base, B_PER_W)], idx_v)

    def fire_gather(g, b):
        pltpu.async_copy(
            table_hbm.at[idx_v.at[pl.ds(g * CHUNK, CHUNK)]], rows_v[b], sg[b]
        )

    def wait_gather(b):
        pltpu.make_async_copy(
            table_hbm.at[idx_v.at[pl.ds(0, CHUNK)]], rows_v[b], sg[b]
        ).wait()

    def fire_out(g, b):
        pltpu.async_copy(rows_v[b], out_hbm.at[pl.ds(base + g * CHUNK, CHUNK)], so[b])

    def wait_out(b):
        pltpu.make_async_copy(rows_v[b], out_hbm.at[pl.ds(base, CHUNK)], so[b]).wait()

    fire_gather(0, 0)
    for b in range(1, NBUF):
        fire_gather(b, b)
        wait_gather(b - 1)
        fire_out(b - 1, b - 1)

    def body(p, carry):
        for b in range(NBUF):
            g = p * NBUF + b
            wait_out(b)
            fire_gather(g, b)
            b1 = (b - 1) % NBUF
            wait_gather(b1)
            fire_out(g - 1, b1)
        return carry

    lax.fori_loop(1, NP, body, 0)

    wait_gather(NBUF - 1)
    fire_out(NCHUNK - 1, NBUF - 1)
    for b in range(NBUF):
        wait_out(b)


def kernel(inputs, table):
    idx = inputs.reshape(-1).astype(jnp.int32)
    out = _sc_gather(idx, table)
    return out.reshape(inputs.shape + (EMB_DIM,))

# --- scband reference (transcript-rebuilt; emitter-appended) ---
"""Pipeline reference for scband-lookup-layer-58480274703100 (READ-ONLY COPY).

The authoritative reference and input builder live on the scoring server;
editing this copy changes nothing except your own understanding.
"""

import jax, jax.numpy as jnp
import numpy as np

VOCAB = 100000
EMB_DIM = 128
BATCH = 16384
N_FIELDS = 26

def setup_inputs(seed: int = 0) -> dict:
    key = jax.random.key(seed)
    k_idx, k_tab = jax.random.split(key)
    inputs = jax.random.randint(k_idx, (BATCH, N_FIELDS), 0, VOCAB, dtype=jnp.int64)
    table = jax.random.normal(k_tab, (VOCAB, EMB_DIM), dtype=jnp.float32)
    return {"inputs": inputs, "table": table}

def reference(inputs, table):
    # Faithful to HPS LookupLayer.call: gather embedding vectors for int64 keys.
    # Output shape = inputs.shape + (emb_vec_size,)
    emb_vector = jnp.take(table, inputs, axis=0)
    return emb_vector

if __name__ == "__main__":
    import jax
    _d = setup_inputs()
    print(jax.jit(kernel)(*tuple(_d.values())))

</pallas_src>

<mosaic_0001>
#map = affine_map<(d0, d1) -> (0)>
#map1 = affine_map<(d0, d1) -> (0, 0)>
module attributes {stable_mosaic.version = 14 : i64} {
  func.func @_sc_gather(%arg0: i32, %arg1: i32, %arg2: memref<425984xi32, #tpu.memory_space<hbm>>, %arg3: memref<100000x128xf32, #tpu.memory_space<hbm>>, %arg4: memref<425984x128xf32, #tpu.memory_space<hbm>>, %arg5: memref<13312xi32, #tpu.memory_space<vmem>>, %arg6: memref<208x128xf32, #tpu.memory_space<vmem>>, %arg7: memref<208x128xf32, #tpu.memory_space<vmem>>, %arg8: memref<208x128xf32, #tpu.memory_space<vmem>>, %arg9: memref<208x128xf32, #tpu.memory_space<vmem>>, %arg10: memref<!tpu.dma_semaphore, #tpu.memory_space<semaphore_mem>>, %arg11: memref<!tpu.dma_semaphore, #tpu.memory_space<semaphore_mem>>, %arg12: memref<!tpu.dma_semaphore, #tpu.memory_space<semaphore_mem>>, %arg13: memref<!tpu.dma_semaphore, #tpu.memory_space<semaphore_mem>>, %arg14: memref<!tpu.dma_semaphore, #tpu.memory_space<semaphore_mem>>, %arg15: memref<!tpu.dma_semaphore, #tpu.memory_space<semaphore_mem>>, %arg16: memref<!tpu.dma_semaphore, #tpu.memory_space<semaphore_mem>>, %arg17: memref<!tpu.dma_semaphore, #tpu.memory_space<semaphore_mem>>) attributes {dimension_semantics = [#tpu.dimension_semantics<core_parallel>, #tpu.dimension_semantics<subcore_parallel>], iteration_bounds = array<i64: 2, 16>, scalar_prefetch = 0 : i64, scratch_operands = 13 : i64, tpu.core_type = #tpu.core_type<sc_vector_subcore>, window_params = [{transform_indices = #map}, {transform_indices = #map1}, {transform_indices = #map1}]} {
    %mul3A = arith.constant 2 : i32
    %mul3A_0 = arith.muli %arg1, %mul3A : i32
    %add3A = arith.addi %mul3A_0, %arg0 : i32
    %mul3A_1 = arith.constant 13312 : i32
    %mul3A_2 = arith.muli %add3A, %mul3A_1 : i32
    "tpu.region"() ({
      %run_scoped3A = tpu.sem_alloc : memref<!tpu.dma_semaphore, #tpu.memory_space<semaphore_mem>>
      %dma_start3A_86 = tpu.memref_slice %arg2[%mul3A_2] : memref<425984xi32, #tpu.memory_space<hbm>> -> memref<13312xi32, #tpu.memory_space<hbm>>
      %dma_start3A_87 = tpu.memref_slice %arg2[%mul3A_2] : memref<425984xi32, #tpu.memory_space<hbm>> -> memref<13312xi32, #tpu.memory_space<hbm>>
      tpu.enqueue_dma source(%dma_start3A_87 : memref<13312xi32, #tpu.memory_space<hbm>>) target(%arg5 : memref<13312xi32, #tpu.memory_space<vmem>>) target_semaphore(%run_scoped3A : memref<!tpu.dma_semaphore, #tpu.memory_space<semaphore_mem>>)
      %dma_wait3A_88 = tpu.memref_slice %arg2[%mul3A_2] : memref<425984xi32, #tpu.memory_space<hbm>> -> memref<13312xi32, #tpu.memory_space<hbm>>
      %dma_wait3A_89 = tpu.memref_slice %arg2[%mul3A_2] : memref<425984xi32, #tpu.memory_space<hbm>> -> memref<13312xi32, #tpu.memory_space<hbm>>
      tpu.wait_dma2 semaphore(%run_scoped3A : memref<!tpu.dma_semaphore, #tpu.memory_space<semaphore_mem>>) src(%dma_wait3A_89 : memref<13312xi32, #tpu.memory_space<hbm>>) dst(%arg5 : memref<13312xi32, #tpu.memory_space<vmem>>)
      tpu.yield
    }) : () -> ()
    %dma_start3A = arith.constant 0 : i32
    %dma_start3A_3 = tpu.memref_slice %arg5[%dma_start3A] : memref<13312xi32, #tpu.memory_space<vmem>> -> memref<208xi32, #tpu.memory_space<vmem>>
    %dma_start3A_4 = arith.constant 0 : i32
    %dma_start3A_5 = arith.constant 0 : i32
    %dma_start3A_6 = tpu.memref_slice %arg3[%dma_start3A_4, %dma_start3A_5] : memref<100000x128xf32, #tpu.memory_space<hbm>> -> memref<100000x128xf32, #tpu.memory_space<hbm>>
    tpu.enqueue_indirect_dma source(%dma_start3A_6 : memref<100000x128xf32, #tpu.memory_space<hbm>>) target(%arg6 : memref<208x128xf32, #tpu.memory_space<vmem>>) offsets(%dma_start3A_3 : memref<208xi32, #tpu.memory_space<vmem>>) semaphore(%arg10 : memref<!tpu.dma_semaphore, #tpu.memory_space<semaphore_mem>>)
    %dma_start3A_7 = arith.constant 208 : i32
    %dma_start3A_8 = tpu.memref_slice %arg5[%dma_start3A_7] : memref<13312xi32, #tpu.memory_space<vmem>> -> memref<208xi32, #tpu.memory_space<vmem>>
    %dma_start3A_9 = arith.constant 0 : i32
    %dma_start3A_10 = arith.constant 0 : i32
    %dma_start3A_11 = tpu.memref_slice %arg3[%dma_start3A_9, %dma_start3A_10] : memref<100000x128xf32, #tpu.memory_space<hbm>> -> memref<100000x128xf32, #tpu.memory_space<hbm>>
    tpu.enqueue_indirect_dma source(%dma_start3A_11 : memref<100000x128xf32, #tpu.memory_space<hbm>>) target(%arg7 : memref<208x128xf32, #tpu.memory_space<vmem>>) offsets(%dma_start3A_8 : memref<208xi32, #tpu.memory_space<vmem>>) semaphore(%arg11 : memref<!tpu.dma_semaphore, #tpu.memory_space<semaphore_mem>>)
    %dma_wait3A = arith.constant 0 : i32
    %dma_wait3A_12 = tpu.memref_slice %arg5[%dma_wait3A] : memref<13312xi32, #tpu.memory_space<vmem>> -> memref<208xi32, #tpu.memory_space<vmem>>
    %dma_wait3A_13 = arith.constant 0 : i32
    %dma_wait3A_14 = arith.constant 0 : i32
    %dma_wait3A_15 = tpu.memref_slice %arg3[%dma_wait3A_13, %dma_wait3A_14] : memref<100000x128xf32, #tpu.memory_space<hbm>> -> memref<100000x128xf32, #tpu.memory_space<hbm>>
    tpu.wait_indirect_dma semaphore(%arg10 : memref<!tpu.dma_semaphore, #tpu.memory_space<semaphore_mem>>) src(%dma_wait3A_15 : memref<100000x128xf32, #tpu.memory_space<hbm>>) dst(%arg6 : memref<208x128xf32, #tpu.memory_space<vmem>>)
    %add3A_16 = arith.constant 0 : i32
    %add3A_17 = arith.addi %mul3A_2, %add3A_16 : i32
    %dma_start3A_18 = arith.constant 0 : i32
    %dma_start3A_19 = tpu.memref_slice %arg4[%add3A_17, %dma_start3A_18] : memref<425984x128xf32, #tpu.memory_space<hbm>> -> memref<208x128xf32, #tpu.memory_space<hbm>>
    %dma_start3A_20 = arith.constant 0 : i32
    %dma_start3A_21 = tpu.memref_slice %arg4[%add3A_17, %dma_start3A_20] : memref<425984x128xf32, #tpu.memory_space<hbm>> -> memref<208x128xf32, #tpu.memory_space<hbm>>
    tpu.enqueue_dma source(%arg6 : memref<208x128xf32, #tpu.memory_space<vmem>>) target(%dma_start3A_21 : memref<208x128xf32, #tpu.memory_space<hbm>>) target_semaphore(%arg14 : memref<!tpu.dma_semaphore, #tpu.memory_space<semaphore_mem>>)
    %dma_start3A_22 = arith.constant 416 : i32
    %dma_start3A_23 = tpu.memref_slice %arg5[%dma_start3A_22] : memref<13312xi32, #tpu.memory_space<vmem>> -> memref<208xi32, #tpu.memory_space<vmem>>
    %dma_start3A_24 = arith.constant 0 : i32
    %dma_start3A_25 = arith.constant 0 : i32
    %dma_start3A_26 = tpu.memref_slice %arg3[%dma_start3A_24, %dma_start3A_25] : memref<100000x128xf32, #tpu.memory_space<hbm>> -> memref<100000x128xf32, #tpu.memory_space<hbm>>
    tpu.enqueue_indirect_dma source(%dma_start3A_26 : memref<100000x128xf32, #tpu.memory_space<hbm>>) target(%arg8 : memref<208x128xf32, #tpu.memory_space<vmem>>) offsets(%dma_start3A_23 : memref<208xi32, #tpu.memory_space<vmem>>) semaphore(%arg12 : memref<!tpu.dma_semaphore, #tpu.memory_space<semaphore_mem>>)
    %dma_wait3A_27 = arith.constant 0 : i32
    %dma_wait3A_28 = tpu.memref_slice %arg5[%dma_wait3A_27] : memref<13312xi32, #tpu.memory_space<vmem>> -> memref<208xi32, #tpu.memory_space<vmem>>
    %dma_wait3A_29 = arith.constant 0 : i32
    %dma_wait3A_30 = arith.constant 0 : i32
    %dma_wait3A_31 = tpu.memref_slice %arg3[%dma_wait3A_29, %dma_wait3A_30] : memref<100000x128xf32, #tpu.memory_space<hbm>> -> memref<100000x128xf32, #tpu.memory_space<hbm>>
    tpu.wait_indirect_dma semaphore(%arg11 : memref<!tpu.dma_semaphore, #tpu.memory_space<semaphore_mem>>) src(%dma_wait3A_31 : memref<100000x128xf32, #tpu.memory_space<hbm>>) dst(%arg7 : memref<208x128xf32, #tpu.memory_space<vmem>>)
    %add3A_32 = arith.constant 208 : i32
    %add3A_33 = arith.addi %mul3A_2, %add3A_32 : i32
    %dma_start3A_34 = arith.constant 0 : i32
    %dma_start3A_35 = tpu.memref_slice %arg4[%add3A_33, %dma_start3A_34] : memref<425984x128xf32, #tpu.memory_space<hbm>> -> memref<208x128xf32, #tpu.memory_space<hbm>>
    %dma_start3A_36 = arith.constant 0 : i32
    %dma_start3A_37 = tpu.memref_slice %arg4[%add3A_33, %dma_start3A_36] : memref<425984x128xf32, #tpu.memory_space<hbm>> -> memref<208x128xf32, #tpu.memory_space<hbm>>
    tpu.enqueue_dma source(%arg7 : memref<208x128xf32, #tpu.memory_space<vmem>>) target(%dma_start3A_37 : memref<208x128xf32, #tpu.memory_space<hbm>>) target_semaphore(%arg15 : memref<!tpu.dma_semaphore, #tpu.memory_space<semaphore_mem>>)
    %dma_start3A_38 = arith.constant 624 : i32
    %dma_start3A_39 = tpu.memref_slice %arg5[%dma_start3A_38] : memref<13312xi32, #tpu.memory_space<vmem>> -> memref<208xi32, #tpu.memory_space<vmem>>
    %dma_start3A_40 = arith.constant 0 : i32
    %dma_start3A_41 = arith.constant 0 : i32
    %dma_start3A_42 = tpu.memref_slice %arg3[%dma_start3A_40, %dma_start3A_41] : memref<100000x128xf32, #tpu.memory_space<hbm>> -> memref<100000x128xf32, #tpu.memory_space<hbm>>
    tpu.enqueue_indirect_dma source(%dma_start3A_42 : memref<100000x128xf32, #tpu.memory_space<hbm>>) target(%arg9 : memref<208x128xf32, #tpu.memory_space<vmem>>) offsets(%dma_start3A_39 : memref<208xi32, #tpu.memory_space<vmem>>) semaphore(%arg13 : memref<!tpu.dma_semaphore, #tpu.memory_space<semaphore_mem>>)
    %dma_wait3A_43 = arith.constant 0 : i32
    %dma_wait3A_44 = tpu.memref_slice %arg5[%dma_wait3A_43] : memref<13312xi32, #tpu.memory_space<vmem>> -> memref<208xi32, #tpu.memory_space<vmem>>
    %dma_wait3A_45 = arith.constant 0 : i32
    %dma_wait3A_46 = arith.constant 0 : i32
    %dma_wait3A_47 = tpu.memref_slice %arg3[%dma_wait3A_45, %dma_wait3A_46] : memref<100000x128xf32, #tpu.memory_space<hbm>> -> memref<100000x128xf32, #tpu.memory_space<hbm>>
    tpu.wait_indirect_dma semaphore(%arg12 : memref<!tpu.dma_semaphore, #tpu.memory_space<semaphore_mem>>) src(%dma_wait3A_47 : memref<100000x128xf32, #tpu.memory_space<hbm>>) dst(%arg8 : memref<208x128xf32, #tpu.memory_space<vmem>>)
    %add3A_48 = arith.constant 416 : i32
    %add3A_49 = arith.addi %mul3A_2, %add3A_48 : i32
    %dma_start3A_50 = arith.constant 0 : i32
    %dma_start3A_51 = tpu.memref_slice %arg4[%add3A_49, %dma_start3A_50] : memref<425984x128xf32, #tpu.memory_space<hbm>> -> memref<208x128xf32, #tpu.memory_space<hbm>>
    %dma_start3A_52 = arith.constant 0 : i32
    %dma_start3A_53 = tpu.memref_slice %arg4[%add3A_49, %dma_start3A_52] : memref<425984x128xf32, #tpu.memory_space<hbm>> -> memref<208x128xf32, #tpu.memory_space<hbm>>
    tpu.enqueue_dma source(%arg8 : memref<208x128xf32, #tpu.memory_space<vmem>>) target(%dma_start3A_53 : memref<208x128xf32, #tpu.memory_space<hbm>>) target_semaphore(%arg16 : memref<!tpu.dma_semaphore, #tpu.memory_space<semaphore_mem>>)
    %scan3A = arith.constant 0 : i32
    %scan3A_54 = arith.constant 1 : i32
    %scan3A_55 = arith.constant 15 : i32
    %scan3A_56 = arith.addi %scan3A_54, %scan3A_55 : i32
    %scan3A_57 = arith.constant 1 : i32
    scf.for %scan3A_86 = %scan3A_54 to %scan3A_56 step %scan3A_57  : i32 {
      %mul3A_87 = arith.constant 4 : i32
      %mul3A_88 = arith.muli %scan3A_86, %mul3A_87 : i32
      %add3A_89 = arith.constant 0 : i32
      %add3A_90 = arith.addi %mul3A_88, %add3A_89 : i32
      %dma_wait3A_91 = arith.constant 0 : i32
      %dma_wait3A_92 = tpu.memref_slice %arg4[%mul3A_2, %dma_wait3A_91] : memref<425984x128xf32, #tpu.memory_space<hbm>> -> memref<208x128xf32, #tpu.memory_space<hbm>>
      %dma_wait3A_93 = arith.constant 0 : i32
      %dma_wait3A_94 = tpu.memref_slice %arg4[%mul3A_2, %dma_wait3A_93] : memref<425984x128xf32, #tpu.memory_space<hbm>> -> memref<208x128xf32, #tpu.memory_space<hbm>>
      tpu.wait_dma2 semaphore(%arg14 : memref<!tpu.dma_semaphore, #tpu.memory_space<semaphore_mem>>) src(%arg6 : memref<208x128xf32, #tpu.memory_space<vmem>>) dst(%dma_wait3A_94 : memref<208x128xf32, #tpu.memory_space<hbm>>)
      %mul3A_95 = arith.constant 208 : i32
      %mul3A_96 = arith.muli %add3A_90, %mul3A_95 : i32
      %dma_start3A_97 = tpu.memref_slice %arg5[%mul3A_96] : memref<13312xi32, #tpu.memory_space<vmem>> -> memref<208xi32, #tpu.memory_space<vmem>>
      %dma_start3A_98 = arith.constant 0 : i32
      %dma_start3A_99 = arith.constant 0 : i32
      %dma_start3A_100 = tpu.memref_slice %arg3[%dma_start3A_98, %dma_start3A_99] : memref<100000x128xf32, #tpu.memory_space<hbm>> -> memref<100000x128xf32, #tpu.memory_space<hbm>>
      tpu.enqueue_indirect_dma source(%dma_start3A_100 : memref<100000x128xf32, #tpu.memory_space<hbm>>) target(%arg6 : memref<208x128xf32, #tpu.memory_space<vmem>>) offsets(%dma_start3A_97 : memref<208xi32, #tpu.memory_space<vmem>>) semaphore(%arg10 : memref<!tpu.dma_semaphore, #tpu.memory_space<semaphore_mem>>)
      %dma_wait3A_101 = arith.constant 0 : i32
      %dma_wait3A_102 = tpu.memref_slice %arg5[%dma_wait3A_101] : memref<13312xi32, #tpu.memory_space<vmem>> -> memref<208xi32, #tpu.memory_space<vmem>>
      %dma_wait3A_103 = arith.constant 0 : i32
      %dma_wait3A_104 = arith.constant 0 : i32
      %dma_wait3A_105 = tpu.memref_slice %arg3[%dma_wait3A_103, %dma_wait3A_104] : memref<100000x128xf32, #tpu.memory_space<hbm>> -> memref<100000x128xf32, #tpu.memory_space<hbm>>
      tpu.wait_indirect_dma semaphore(%arg13 : memref<!tpu.dma_semaphore, #tpu.memory_space<semaphore_mem>>) src(%dma_wait3A_105 : memref<100000x128xf32, #tpu.memory_space<hbm>>) dst(%arg9 : memref<208x128xf32, #tpu.memory_space<vmem>>)
      %sub3A = arith.constant 1 : i32
      %sub3A_106 = arith.subi %add3A_90, %sub3A : i32
      %mul3A_107 = arith.constant 208 : i32
      %mul3A_108 = arith.muli %sub3A_106, %mul3A_107 : i32
      %add3A_109 = arith.addi %mul3A_2, %mul3A_108 : i32
      %dma_start3A_110 = arith.constant 0 : i32
      %dma_start3A_111 = tpu.memref_slice %arg4[%add3A_109, %dma_start3A_110] : memref<425984x128xf32, #tpu.memory_space<hbm>> -> memref<208x128xf32, #tpu.memory_space<hbm>>
      %dma_start3A_112 = arith.constant 0 : i32
      %dma_start3A_113 = tpu.memref_slice %arg4[%add3A_109, %dma_start3A_112] : memref<425984x128xf32, #tpu.memory_space<hbm>> -> memref<208x128xf32, #tpu.memory_space<hbm>>
      tpu.enqueue_dma source(%arg9 : memref<208x128xf32, #tpu.memory_space<vmem>>) target(%dma_start3A_113 : memref<208x128xf32, #tpu.memory_space<hbm>>) target_semaphore(%arg17 : memref<!tpu.dma_semaphore, #tpu.memory_space<semaphore_mem>>)
      %mul3A_114 = arith.constant 4 : i32
      %mul3A_115 = arith.muli %scan3A_86, %mul3A_114 : i32
      %add3A_116 = arith.constant 1 : i32
      %add3A_117 = arith.addi %mul3A_115, %add3A_116 : i32
      %dma_wait3A_118 = arith.constant 0 : i32
      %dma_wait3A_119 = tpu.memref_slice %arg4[%mul3A_2, %dma_wait3A_118] : memref<425984x128xf32, #tpu.memory_space<hbm>> -> memref<208x128xf32, #tpu.memory_space<hbm>>
      %dma_wait3A_120 = arith.constant 0 : i32
      %dma_wait3A_121 = tpu.memref_slice %arg4[%mul3A_2, %dma_wait3A_120] : memref<425984x128xf32, #tpu.memory_space<hbm>> -> memref<208x128xf32, #tpu.memory_space<hbm>>
      tpu.wait_dma2 semaphore(%arg15 : memref<!tpu.dma_semaphore, #tpu.memory_space<semaphore_mem>>) src(%arg7 : memref<208x128xf32, #tpu.memory_space<vmem>>) dst(%dma_wait3A_121 : memref<208x128xf32, #tpu.memory_space<hbm>>)
      %mul3A_122 = arith.constant 208 : i32
      %mul3A_123 = arith.muli %add3A_117, %mul3A_122 : i32
      %dma_start3A_124 = tpu.memref_slice %arg5[%mul3A_123] : memref<13312xi32, #tpu.memory_space<vmem>> -> memref<208xi32, #tpu.memory_space<vmem>>
      %dma_start3A_125 = arith.constant 0 : i32
      %dma_start3A_126 = arith.constant 0 : i32
      %dma_start3A_127 = tpu.memref_slice %arg3[%dma_start3A_125, %dma_start3A_126] : memref<100000x128xf32, #tpu.memory_space<hbm>> -> memref<100000x128xf32, #tpu.memory_space<hbm>>
      tpu.enqueue_indirect_dma source(%dma_start3A_127 : memref<100000x128xf32, #tpu.memory_space<hbm>>) target(%arg7 : memref<208x128xf32, #tpu.memory_space<vmem>>) offsets(%dma_start3A_124 : memref<208xi32, #tpu.memory_space<vmem>>) semaphore(%arg11 : memref<!tpu.dma_semaphore, #tpu.memory_space<semaphore_mem>>)
      %dma_wait3A_128 = arith.constant 0 : i32
      %dma_wait3A_129 = tpu.memref_slice %arg5[%dma_wait3A_128] : memref<13312xi32, #tpu.memory_space<vmem>> -> memref<208xi32, #tpu.memory_space<vmem>>
      %dma_wait3A_130 = arith.constant 0 : i32
      %dma_wait3A_131 = arith.constant 0 : i32
      %dma_wait3A_132 = tpu.memref_slice %arg3[%dma_wait3A_130, %dma_wait3A_131] : memref<100000x128xf32, #tpu.memory_space<hbm>> -> memref<100000x128xf32, #tpu.memory_space<hbm>>
      tpu.wait_indirect_dma semaphore(%arg10 : memref<!tpu.dma_semaphore, #tpu.memory_space<semaphore_mem>>) src(%dma_wait3A_132 : memref<100000x128xf32, #tpu.memory_space<hbm>>) dst(%arg6 : memref<208x128xf32, #tpu.memory_space<vmem>>)
      %sub3A_133 = arith.constant 1 : i32
      %sub3A_134 = arith.subi %add3A_117, %sub3A_133 : i32
      %mul3A_135 = arith.constant 208 : i32
      %mul3A_136 = arith.muli %sub3A_134, %mul3A_135 : i32
      %add3A_137 = arith.addi %mul3A_2, %mul3A_136 : i32
      %dma_start3A_138 = arith.constant 0 : i32
      %dma_start3A_139 = tpu.memref_slice %arg4[%add3A_137, %dma_start3A_138] : memref<425984x128xf32, #tpu.memory_space<hbm>> -> memref<208x128xf32, #tpu.memory_space<hbm>>
      %dma_start3A_140 = arith.constant 0 : i32
      %dma_start3A_141 = tpu.memref_slice %arg4[%add3A_137, %dma_start3A_140] : memref<425984x128xf32, #tpu.memory_space<hbm>> -> memref<208x128xf32, #tpu.memory_space<hbm>>
      tpu.enqueue_dma source(%arg6 : memref<208x128xf32, #tpu.memory_space<vmem>>) target(%dma_start3A_141 : memref<208x128xf32, #tpu.memory_space<hbm>>) target_semaphore(%arg14 : memref<!tpu.dma_semaphore, #tpu.memory_space<semaphore_mem>>)
      %mul3A_142 = arith.constant 4 : i32
      %mul3A_143 = arith.muli %scan3A_86, %mul3A_142 : i32
      %add3A_144 = arith.constant 2 : i32
      %add3A_145 = arith.addi %mul3A_143, %add3A_144 : i32
      %dma_wait3A_146 = arith.constant 0 : i32
      %dma_wait3A_147 = tpu.memref_slice %arg4[%mul3A_2, %dma_wait3A_146] : memref<425984x128xf32, #tpu.memory_space<hbm>> -> memref<208x128xf32, #tpu.memory_space<hbm>>
      %dma_wait3A_148 = arith.constant 0 : i32
      %dma_wait3A_149 = tpu.memref_slice %arg4[%mul3A_2, %dma_wait3A_148] : memref<425984x128xf32, #tpu.memory_space<hbm>> -> memref<208x128xf32, #tpu.memory_space<hbm>>
      tpu.wait_dma2 semaphore(%arg16 : memref<!tpu.dma_semaphore, #tpu.memory_space<semaphore_mem>>) src(%arg8 : memref<208x128xf32, #tpu.memory_space<vmem>>) dst(%dma_wait3A_149 : memref<208x128xf32, #tpu.memory_space<hbm>>)
      %mul3A_150 = arith.constant 208 : i32
      %mul3A_151 = arith.muli %add3A_145, %mul3A_150 : i32
      %dma_start3A_152 = tpu.memref_slice %arg5[%mul3A_151] : memref<13312xi32, #tpu.memory_space<vmem>> -> memref<208xi32, #tpu.memory_space<vmem>>
      %dma_start3A_153 = arith.constant 0 : i32
      %dma_start3A_154 = arith.constant 0 : i32
      %dma_start3A_155 = tpu.memref_slice %arg3[%dma_start3A_153, %dma_start3A_154] : memref<100000x128xf32, #tpu.memory_space<hbm>> -> memref<100000x128xf32, #tpu.memory_space<hbm>>
      tpu.enqueue_indirect_dma source(%dma_start3A_155 : memref<100000x128xf32, #tpu.memory_space<hbm>>) target(%arg8 : memref<208x128xf32, #tpu.memory_space<vmem>>) offsets(%dma_start3A_152 : memref<208xi32, #tpu.memory_space<vmem>>) semaphore(%arg12 : memref<!tpu.dma_semaphore, #tpu.memory_space<semaphore_mem>>)
      %dma_wait3A_156 = arith.constant 0 : i32
      %dma_wait3A_157 = tpu.memref_slice %arg5[%dma_wait3A_156] : memref<13312xi32, #tpu.memory_space<vmem>> -> memref<208xi32, #tpu.memory_space<vmem>>
      %dma_wait3A_158 = arith.constant 0 : i32
      %dma_wait3A_159 = arith.constant 0 : i32
      %dma_wait3A_160 = tpu.memref_slice %arg3[%dma_wait3A_158, %dma_wait3A_159] : memref<100000x128xf32, #tpu.memory_space<hbm>> -> memref<100000x128xf32, #tpu.memory_space<hbm>>
      tpu.wait_indirect_dma semaphore(%arg11 : memref<!tpu.dma_semaphore, #tpu.memory_space<semaphore_mem>>) src(%dma_wait3A_160 : memref<100000x128xf32, #tpu.memory_space<hbm>>) dst(%arg7 : memref<208x128xf32, #tpu.memory_space<vmem>>)
      %sub3A_161 = arith.constant 1 : i32
      %sub3A_162 = arith.subi %add3A_145, %sub3A_161 : i32
      %mul3A_163 = arith.constant 208 : i32
      %mul3A_164 = arith.muli %sub3A_162, %mul3A_163 : i32
      %add3A_165 = arith.addi %mul3A_2, %mul3A_164 : i32
      %dma_start3A_166 = arith.constant 0 : i32
      %dma_start3A_167 = tpu.memref_slice %arg4[%add3A_165, %dma_start3A_166] : memref<425984x128xf32, #tpu.memory_space<hbm>> -> memref<208x128xf32, #tpu.memory_space<hbm>>
      %dma_start3A_168 = arith.constant 0 : i32
      %dma_start3A_169 = tpu.memref_slice %arg4[%add3A_165, %dma_start3A_168] : memref<425984x128xf32, #tpu.memory_space<hbm>> -> memref<208x128xf32, #tpu.memory_space<hbm>>
      tpu.enqueue_dma source(%arg7 : memref<208x128xf32, #tpu.memory_space<vmem>>) target(%dma_start3A_169 : memref<208x128xf32, #tpu.memory_space<hbm>>) target_semaphore(%arg15 : memref<!tpu.dma_semaphore, #tpu.memory_space<semaphore_mem>>)
      %mul3A_170 = arith.constant 4 : i32
      %mul3A_171 = arith.muli %scan3A_86, %mul3A_170 : i32
      %add3A_172 = arith.constant 3 : i32
      %add3A_173 = arith.addi %mul3A_171, %add3A_172 : i32
      %dma_wait3A_174 = arith.constant 0 : i32
      %dma_wait3A_175 = tpu.memref_slice %arg4[%mul3A_2, %dma_wait3A_174] : memref<425984x128xf32, #tpu.memory_space<hbm>> -> memref<208x128xf32, #tpu.memory_space<hbm>>
      %dma_wait3A_176 = arith.constant 0 : i32
      %dma_wait3A_177 = tpu.memref_slice %arg4[%mul3A_2, %dma_wait3A_176] : memref<425984x128xf32, #tpu.memory_space<hbm>> -> memref<208x128xf32, #tpu.memory_space<hbm>>
      tpu.wait_dma2 semaphore(%arg17 : memref<!tpu.dma_semaphore, #tpu.memory_space<semaphore_mem>>) src(%arg9 : memref<208x128xf32, #tpu.memory_space<vmem>>) dst(%dma_wait3A_177 : memref<208x128xf32, #tpu.memory_space<hbm>>)
      %mul3A_178 = arith.constant 208 : i32
      %mul3A_179 = arith.muli %add3A_173, %mul3A_178 : i32
      %dma_start3A_180 = tpu.memref_slice %arg5[%mul3A_179] : memref<13312xi32, #tpu.memory_space<vmem>> -> memref<208xi32, #tpu.memory_space<vmem>>
      %dma_start3A_181 = arith.constant 0 : i32
      %dma_start3A_182 = arith.constant 0 : i32
      %dma_start3A_183 = tpu.memref_slice %arg3[%dma_start3A_181, %dma_start3A_182] : memref<100000x128xf32, #tpu.memory_space<hbm>> -> memref<100000x128xf32, #tpu.memory_space<hbm>>
      tpu.enqueue_indirect_dma source(%dma_start3A_183 : memref<100000x128xf32, #tpu.memory_space<hbm>>) target(%arg9 : memref<208x128xf32, #tpu.memory_space<vmem>>) offsets(%dma_start3A_180 : memref<208xi32, #tpu.memory_space<vmem>>) semaphore(%arg13 : memref<!tpu.dma_semaphore, #tpu.memory_space<semaphore_mem>>)
      %dma_wait3A_184 = arith.constant 0 : i32
      %dma_wait3A_185 = tpu.memref_slice %arg5[%dma_wait3A_184] : memref<13312xi32, #tpu.memory_space<vmem>> -> memref<208xi32, #tpu.memory_space<vmem>>
      %dma_wait3A_186 = arith.constant 0 : i32
      %dma_wait3A_187 = arith.constant 0 : i32
      %dma_wait3A_188 = tpu.memref_slice %arg3[%dma_wait3A_186, %dma_wait3A_187] : memref<100000x128xf32, #tpu.memory_space<hbm>> -> memref<100000x128xf32, #tpu.memory_space<hbm>>
      tpu.wait_indirect_dma semaphore(%arg12 : memref<!tpu.dma_semaphore, #tpu.memory_space<semaphore_mem>>) src(%dma_wait3A_188 : memref<100000x128xf32, #tpu.memory_space<hbm>>) dst(%arg8 : memref<208x128xf32, #tpu.memory_space<vmem>>)
      %sub3A_189 = arith.constant 1 : i32
      %sub3A_190 = arith.subi %add3A_173, %sub3A_189 : i32
      %mul3A_191 = arith.constant 208 : i32
      %mul3A_192 = arith.muli %sub3A_190, %mul3A_191 : i32
      %add3A_193 = arith.addi %mul3A_2, %mul3A_192 : i32
      %dma_start3A_194 = arith.constant 0 : i32
      %dma_start3A_195 = tpu.memref_slice %arg4[%add3A_193, %dma_start3A_194] : memref<425984x128xf32, #tpu.memory_space<hbm>> -> memref<208x128xf32, #tpu.memory_space<hbm>>
      %dma_start3A_196 = arith.constant 0 : i32
      %dma_start3A_197 = tpu.memref_slice %arg4[%add3A_193, %dma_start3A_196] : memref<425984x128xf32, #tpu.memory_space<hbm>> -> memref<208x128xf32, #tpu.memory_space<hbm>>
      tpu.enqueue_dma source(%arg8 : memref<208x128xf32, #tpu.memory_space<vmem>>) target(%dma_start3A_197 : memref<208x128xf32, #tpu.memory_space<hbm>>) target_semaphore(%arg16 : memref<!tpu.dma_semaphore, #tpu.memory_space<semaphore_mem>>)
    }
    %scan3A_58 = arith.constant 15 : i32
    %dma_wait3A_59 = arith.constant 0 : i32
    %dma_wait3A_60 = tpu.memref_slice %arg5[%dma_wait3A_59] : memref<13312xi32, #tpu.memory_space<vmem>> -> memref<208xi32, #tpu.memory_space<vmem>>
    %dma_wait3A_61 = arith.constant 0 : i32
    %dma_wait3A_62 = arith.constant 0 : i32
    %dma_wait3A_63 = tpu.memref_slice %arg3[%dma_wait3A_61, %dma_wait3A_62] : memref<100000x128xf32, #tpu.memory_space<hbm>> -> memref<100000x128xf32, #tpu.memory_space<hbm>>
    tpu.wait_indirect_dma semaphore(%arg13 : memref<!tpu.dma_semaphore, #tpu.memory_space<semaphore_mem>>) src(%dma_wait3A_63 : memref<100000x128xf32, #tpu.memory_space<hbm>>) dst(%arg9 : memref<208x128xf32, #tpu.memory_space<vmem>>)
    %add3A_64 = arith.constant 13104 : i32
    %add3A_65 = arith.addi %mul3A_2, %add3A_64 : i32
    %dma_start3A_66 = arith.constant 0 : i32
    %dma_start3A_67 = tpu.memref_slice %arg4[%add3A_65, %dma_start3A_66] : memref<425984x128xf32, #tpu.memory_space<hbm>> -> memref<208x128xf32, #tpu.memory_space<hbm>>
    %dma_start3A_68 = arith.constant 0 : i32
    %dma_start3A_69 = tpu.memref_slice %arg4[%add3A_65, %dma_start3A_68] : memref<425984x128xf32, #tpu.memory_space<hbm>> -> memref<208x128xf32, #tpu.memory_space<hbm>>
    tpu.enqueue_dma source(%arg9 : memref<208x128xf32, #tpu.memory_space<vmem>>) target(%dma_start3A_69 : memref<208x128xf32, #tpu.memory_space<hbm>>) target_semaphore(%arg17 : memref<!tpu.dma_semaphore, #tpu.memory_space<semaphore_mem>>)
    %dma_wait3A_70 = arith.constant 0 : i32
    %dma_wait3A_71 = tpu.memref_slice %arg4[%mul3A_2, %dma_wait3A_70] : memref<425984x128xf32, #tpu.memory_space<hbm>> -> memref<208x128xf32, #tpu.memory_space<hbm>>
    %dma_wait3A_72 = arith.constant 0 : i32
    %dma_wait3A_73 = tpu.memref_slice %arg4[%mul3A_2, %dma_wait3A_72] : memref<425984x128xf32, #tpu.memory_space<hbm>> -> memref<208x128xf32, #tpu.memory_space<hbm>>
    tpu.wait_dma2 semaphore(%arg14 : memref<!tpu.dma_semaphore, #tpu.memory_space<semaphore_mem>>) src(%arg6 : memref<208x128xf32, #tpu.memory_space<vmem>>) dst(%dma_wait3A_73 : memref<208x128xf32, #tpu.memory_space<hbm>>)
    %dma_wait3A_74 = arith.constant 0 : i32
    %dma_wait3A_75 = tpu.memref_slice %arg4[%mul3A_2, %dma_wait3A_74] : memref<425984x128xf32, #tpu.memory_space<hbm>> -> memref<208x128xf32, #tpu.memory_space<hbm>>
    %dma_wait3A_76 = arith.constant 0 : i32
    %dma_wait3A_77 = tpu.memref_slice %arg4[%mul3A_2, %dma_wait3A_76] : memref<425984x128xf32, #tpu.memory_space<hbm>> -> memref<208x128xf32, #tpu.memory_space<hbm>>
    tpu.wait_dma2 semaphore(%arg15 : memref<!tpu.dma_semaphore, #tpu.memory_space<semaphore_mem>>) src(%arg7 : memref<208x128xf32, #tpu.memory_space<vmem>>) dst(%dma_wait3A_77 : memref<208x128xf32, #tpu.memory_space<hbm>>)
    %dma_wait3A_78 = arith.constant 0 : i32
    %dma_wait3A_79 = tpu.memref_slice %arg4[%mul3A_2, %dma_wait3A_78] : memref<425984x128xf32, #tpu.memory_space<hbm>> -> memref<208x128xf32, #tpu.memory_space<hbm>>
    %dma_wait3A_80 = arith.constant 0 : i32
    %dma_wait3A_81 = tpu.memref_slice %arg4[%mul3A_2, %dma_wait3A_80] : memref<425984x128xf32, #tpu.memory_space<hbm>> -> memref<208x128xf32, #tpu.memory_space<hbm>>
    tpu.wait_dma2 semaphore(%arg16 : memref<!tpu.dma_semaphore, #tpu.memory_space<semaphore_mem>>) src(%arg8 : memref<208x128xf32, #tpu.memory_space<vmem>>) dst(%dma_wait3A_81 : memref<208x128xf32, #tpu.memory_space<hbm>>)
    %dma_wait3A_82 = arith.constant 0 : i32
    %dma_wait3A_83 = tpu.memref_slice %arg4[%mul3A_2, %dma_wait3A_82] : memref<425984x128xf32, #tpu.memory_space<hbm>> -> memref<208x128xf32, #tpu.memory_space<hbm>>
    %dma_wait3A_84 = arith.constant 0 : i32
    %dma_wait3A_85 = tpu.memref_slice %arg4[%mul3A_2, %dma_wait3A_84] : memref<425984x128xf32, #tpu.memory_space<hbm>> -> memref<208x128xf32, #tpu.memory_space<hbm>>
    tpu.wait_dma2 semaphore(%arg17 : memref<!tpu.dma_semaphore, #tpu.memory_space<semaphore_mem>>) src(%arg9 : memref<208x128xf32, #tpu.memory_space<vmem>>) dst(%dma_wait3A_85 : memref<208x128xf32, #tpu.memory_space<hbm>>)
    return
  }
}

</mosaic_0001>

<sc_bundles>
// kernel: kernel.3.cloned.1.call-start
scs
__scs_entry_jumppad:
0x0: {  	(pc) =	sbr.rel $0x88, $3  }
0x1: {  	(tag) =	ssettag $0x0;
	lr =	simm.s32 $0x1  }
0x2: {  	[smem:$0x3F9F] =	sst lr;
	_ =	strace $0xD0000000  }
0x3: {  	_ = 	snop  }
0x4: {  	_ = 	snop  }
0x5: {  	_ = 	snop  }
0x6: {  	_ = 	snop  }
0x7: {  	_ = 	snop  }
__scs_overlays_trampoline_lowered:
0x8: {  	[smem:$0x3FAE] =	sst s0  }
0x9: {  	[smem:$0x3FAF] =	sst s1  }
0xa: {  	[smem:$0x3FB0] =	sst s2  }
0xb: {  	[smem:$0x3FB1] =	sst s3  }
0xc: {  	[smem:$0x3FB2] =	sst s4  }
0xd: {  	[smem:$0x3FB3] =	sst s5  }
0xe: {  	[smem:$0x3FB4] =	sst s6  }
0xf: {  	[smem:$0x3FB5] =	sst s7  }
0x10: {  	[smem:$0x3FB6] =	sst s8  }
0x11: {  	[smem:$0x3FB7] =	sst s9;
	s0 =	simm.s32 @!p0 $0x0  }
0x12: {  	s1 =	sld [smem:$0x3F9D];
	s0 =	simm.s32 @p0 $0x1  }
0x13: {  	[smem:$0x3FB8] =	sst s0;
	s0 =	simm.s32 @!p1 $0x0  }
0x14: {  	s2 =	sld [smem:$0x3F9C];
	s0 =	simm.s32 @p1 $0x1  }
0x15: {  	[smem:$0x3FB9] =	sst s0;
	s0 =	simm.s32 @!p2 $0x0  }
0x16: {  	s3 =	sld [smem:$0x3FDB];
	s0 =	simm.s32 @p2 $0x1  }
0x17: {  	s4 =	simm.s32 $0x1BF5;
	[smem:$0x3FBB] =	sst s0  }
0x18: {  	s0 =	sld [smem:$0x3F9E];
	_ =	swait.ge [sflag:s4], $0x0  }
0x19: {  	s7 =	sld [smem:$0x3F9F]  }
0x1a: {  	s8 =	sadd.s32 $0xFFFFE003, lr  }
0x1b: {  	s9 =	sadd.s32 $0xFFFFFEF7, lr;
	s5 =	simm.s32 $0xFFFFFFFF;
	p2 =	slt.u32 s8, $0xFFFFF086  }
0x1c: {  	p1 =	slt.u32 s9, $0xF7A;
	s5 =	simm.s32 @!p2 $0x0  }
0x1d: {  	s5 =	simm.s32 @p1 $0x1;
	p0 =	seq.s32 s7, s2  }
0x1e: {  	s7 =	smul.u32 @!p0 $0xF7A, s2;
	p2 =	seq.s32 @!p0 s5, $0x0  }
0x1f: {  	s9 =	smul.u32 $0xF7A, s1;
	s8 =	simm.s32 @!p0 $0x1BF5;
	p2 =	por !p2, p0  }
0x20: {  	[sflag:s8] =	ssyncset.s32 @!p0 $0xFFFFF086;
	s6 =	sadd.s32 @!p0 s3, s7;
	s7 =	simm.s32 @!p0 $0x108  }
0x21: {  	s3 =	sadd.s32 s3, s9;
	s6 =	sadd.s32 @!p0 $0x88, s6;
	s7 =	simm.s32 @p2 $0x1082  }
0x22: {  	[simem:s7], [sflag:s8] =	dma.local @!p0 [hbm:s6], $0xF7A  }
0x23: {  	s9 =	sor.u32 $0xD0000000, s2;
	s6 =	simm.s32 $0x108;
	_ =	swait.ge @!p0 [sflag:s8], $0x0  }
0x24: {  	s3 =	sadd.s32 $0x88, s3;
	s6 =	simm.s32 @!p1 $0x1082;
	[sflag:s4] =	ssyncset.s32 $0xFFFFF086  }
0x25: {  	[simem:s6], [sflag:s4] =	dma.local [hbm:s3], $0xF7A  }
0x26: {  	[smem:$0x3F9F] =	sst s1;
	(tag) =	ssettag s2;
	_ =	strace s9  }
0x27: {  	s1 =	sld [smem:$0x3FAF]  }
0x28: {  	s2 =	sld [smem:$0x3FB0]  }
0x29: {  	s4 =	sld [smem:$0x3FB2]  }
0x2a: {  	p0 =	seq.s32 s5, $0x0;
	s5 =	sld [smem:$0x3FB3]  }
0x2b: {  	s6 =	sld [smem:$0x3FB4]  }
0x2c: {  	s7 =	sld [smem:$0x3FB5]  }
0x2d: {  	s3 =	simm.s32 $0x108;
	s8 =	sld [smem:$0x3FB6]  }
0x2e: {  	s3 =	simm.s32 @!p0 $0x1082;
	s9 =	sld [smem:$0x3FB7]  }
0x2f: {  	lr =	sadd.s32 s0, s3;
	s0 =	sld [smem:$0x3FAE]  }
0x30: {  	s3 =	sld [smem:$0x3FB1]  }
0x31: {  	[smem:$0x3FBA] =	sst s10  }
0x32: {  	s10 =	sld [smem:$0x3FB8];
	_ =	sdelay $0x3  }
0x33: {  	p0 =	seq.s32 s10, $0x1;
	s10 =	sld [smem:$0x3FBA];
	_ =	sdelay $0x3  }
0x34: {  	[smem:$0x3FBA] =	sst s10  }
0x35: {  	s10 =	sld [smem:$0x3FB9];
	_ =	sdelay $0x3  }
0x36: {  	p1 =	seq.s32 s10, $0x1;
	s10 =	sld [smem:$0x3FBA];
	_ =	sdelay $0x3  }
0x37: {  	[smem:$0x3FBA] =	sst s10  }
0x38: {  	s10 =	sld [smem:$0x3FBB]  }
0x39: {  	_ = 	snop;
	(pc) =	sbr.ind lr, $3  }
0x3a: {  	_ = 	snop  }
0x3b: {  	_ = 	snop  }
0x3c: {  	p2 =	seq.s32 s10, $0x1;
	s10 =	sld [smem:$0x3FBA]  }
0x3d: {  	_ =	shalt  }
0x3e: {  	_ =	shalt  }
0x3f: {  	_ =	shalt  }
0x40: {  	_ =	shalt  }
0x41: {  	_ =	shalt  }
0x42: {  	_ =	shalt  }
0x43: {  	_ =	shalt  }
0x44: {  	_ =	shalt  }
0x45: {  	_ =	shalt  }
0x46: {  	_ =	shalt  }
0x47: {  	_ =	shalt  }
0x48: {  	_ =	shalt  }
0x49: {  	_ =	shalt  }
0x4a: {  	_ =	shalt  }
0x4b: {  	_ =	shalt  }
0x4c: {  	_ =	shalt  }
0x4d: {  	_ =	shalt  }
0x4e: {  	_ =	shalt  }
0x4f: {  	_ =	shalt  }
0x50: {  	_ =	shalt  }
0x51: {  	_ =	shalt  }
0x52: {  	_ =	shalt  }
0x53: {  	_ =	shalt  }
0x54: {  	_ =	shalt  }
0x55: {  	_ =	shalt  }
0x56: {  	_ =	shalt  }
0x57: {  	_ =	shalt  }
0x58: {  	_ =	shalt  }
0x59: {  	_ =	shalt  }
0x5a: {  	_ =	shalt  }
0x5b: {  	_ =	shalt  }
0x5c: {  	_ =	shalt  }
0x5d: {  	_ =	shalt  }
0x5e: {  	_ =	shalt  }
0x5f: {  	_ =	shalt  }
0x60: {  	_ =	shalt  }
0x61: {  	_ =	shalt  }
0x62: {  	_ =	shalt  }
0x63: {  	_ =	shalt  }
0x64: {  	_ =	shalt  }
0x65: {  	_ =	shalt  }
0x66: {  	_ =	shalt  }
0x67: {  	_ =	shalt  }
0x68: {  	_ =	shalt  }
0x69: {  	_ =	shalt  }
0x6a: {  	_ =	shalt  }
0x6b: {  	_ =	shalt  }
0x6c: {  	_ =	shalt  }
0x6d: {  	_ =	shalt  }
0x6e: {  	_ =	shalt  }
0x6f: {  	_ =	shalt  }
0x70: {  	_ =	shalt  }
0x71: {  	_ =	shalt  }
0x72: {  	_ =	shalt  }
0x73: {  	_ =	shalt  }
0x74: {  	_ =	shalt  }
0x75: {  	_ =	shalt  }
0x76: {  	_ =	shalt  }
0x77: {  	_ =	shalt  }
0x78: {  	_ =	shalt  }
0x79: {  	_ =	shalt  }
0x7a: {  	_ =	shalt  }
0x7b: {  	_ =	shalt  }
0x7c: {  	_ =	shalt  }
0x7d: {  	_ =	shalt  }
0x7e: {  	_ =	shalt  }
0x7f: {  	_ =	shalt  }
0x80: {  	_ =	shalt  }
0x81: {  	_ =	shalt  }
0x82: {  	_ =	shalt  }
0x83: {  	_ =	shalt  }
0x84: {  	_ =	shalt  }
0x85: {  	_ =	shalt  }
0x86: {  	_ =	shalt  }
0x87: {  	_ =	shalt  }
.Lfunc_end0:
.L_simem_size_0:
called_computation.1_lowered:
.L_overlay_start_0:
0x88: {  	s2 =	sld [smem:$0x3FD9]  }
0x89: {  	s3 =	sld [smem:$0x3FFE];
	_ =	sdelay $0x1  }
0x8a: {  	s1 =	srdreg.scid  }
0x8b: {  	s0 =	sand.u32 $0x1, s1  }
0x8c: {  	s17 =	sshll.u32 s0, $0xA;
	s2 =	sadd.s32 s3, s2  }
0x8d: {  	s2 =	sadd.s32 s2, s17  }
0x8e: {  	[smem:$0x3FC6] =	sst s2  }
0x8f: {  	_ = 	snop  }
0x90: {  	s2 =	sld [smem:$0x3FC8]  }
0x91: {  	s18 =	sld [smem:$0x3FD0];
	(tm) =	ssettm $0x1  }
0x92: {  	s4 =	sld [smem:$0x3FFB];
	_ =	sdelay $0x3  }
0x93: {  	_ =	strace s4  }
0x94: {  	s4 =	sld [smem:$0x3FFC];
	_ =	sdelay $0x3  }
0x95: {  	_ =	strace s4  }
0x96: {  	s4 =	sld [smem:$0x3FFD];
	_ =	sdelay $0x3  }
0x97: {  	_ =	strace s4  }
0x98: {  	_ =	strace $0x8FFFFFFF  }
0x99: {  	s19 =	sld [smem:$0x3FDB];
	_ =	sdelay $0x1  }
0x9a: {  	s5 =	simm.s32 $_scs_section_size  }
0x9b: {  	s6 =	simm.s32 $_size__tile_overlayer_lowered;
	s7 =	simm.s32 $_tile_overlayer_lowered  }
0x9c: {  	s22 =	simm.s32 $0x1BFF;
	s21 =	sshll.u32 s7, $0x1;
	s4 =	sadd.s32 s5, s19  }
0x9d: {  	s8 =	simm.s32 $0x0;
	s20 =	sshll.u32 s6, $0x1;
	s6 =	sadd.s32 s21, s4  }
0x9e: {  	[timem:s8], [sflag:s22] =	dma.local [hbm:s6], s20  }
0x9f: {  	_ =	swait.ge [sflag:s22], s20  }
0xa0: {  	s5 =	ssub.s32 $0x0, s20;
	[sflag:s22] =	ssyncset.done $0x0  }
0xa1: {  	[sflag:s22] =	ssyncadd.s32 s5;
	_ =	sdelay $0x1  }
0xa2: {  	s23 =	simm.s32 $0x1B8B  }
0xa3: {  	_ =	swait.ge [sflag:s23], $0x1  }
0xa4: {  	[sflag:s23] =	ssyncset.done $0x0  }
0xa5: {  	s25 =	simm.s32 $0x1B8E;
	s24 =	sld [smem:$0x3FFE];
	[sflag:s23] =	ssyncadd.s32 $0xFFFFFFFF  }
0xa6: {  	s26 =	simm.s32 $execute0_lowered;
	[smem:$0x3FD2] =	sst s25  }
0xa7: {  	s6 =	sshll.u32 s26, $0x1;
	_ =	strace $0x80000046;
	[dreg:$0x1] =	wrdreg $0xFFFFFFFF  }
0xa8: {  	s28 =	simm.s32 $_size_execute0_lowered;
	s4 =	sadd.s32 s4, s6;
	[dreg:$0x0] =	wrdreg $0x0  }
0xa9: {  	s6 =	sshll.u32 s28, $0x1;
	[dreg:$0x2] =	wrdreg s4  }
0xaa: {  	[dreg:$0x3] =	wrdreg s6  }
0xab: {  	[dreg:$0x4] =	wrdreg $0xC0  }
0xac: {  	_ =	task [dreg:s8], $0x5FFFF  }
0xad: {  	[dreg:$0x1] =	wrdreg $0xFFFFFFFF  }
0xae: {  	[dreg:$0x0] =	wrdreg $0x60  }
0xaf: {  	[dreg:$0x2] =	wrdreg s24  }
0xb0: {  	[dreg:$0x3] =	wrdreg s2  }
0xb1: {  	[dreg:$0x4] =	wrdreg s18  }
0xb2: {  	[dreg:$0x5] =	wrdreg $0x9  }
0xb3: {  	_ =	task.clear_ibuf [dreg:s8], $0x6FFFF;
	_ =	strace $0x90000046  }
0xb4: {  	s29 =	simm.s32 $0x9;
	_ =	strace $0x80000048  }
0xb5: {  	_ =	swait.ge [sflag:s29], $0x1  }
0xb6: {  	[sflag:s29] =	ssyncadd.s32 $0xFFFFFFFF  }
0xb7: {  	_ =	strace $0x90000048  }
0xb8: {  	_ =	sfence  }
0xb9: {  	s30 =	sld [smem:$0x0];
	_ =	sdelay $0x2  }
0xba: {  	s31 =	sshll.u32 s1, $0xD;
	s1 =	sshrl.u32 s1, $0x2  }
0xbb: {  	s3 =	sand.u32 $0x4000, s31;
	s1 =	sadd.s32 s1, s30  }
0xbc: {  	s0 =	sor.u32 s3, s0;
	s1 =	sshll.u32 s1, $0x11  }
0xbd: {  	s0 =	sor.u32 s1, s0  }
0xbe: {  	s0 =	sadd.s32 $0x8F2B, s0  }
0xbf: {  	[sflag:s0] =	ssyncadd.remote.s32 $0x1  }
0xc0: {  	_ =	sfence.sel $0xFFFF  }
0xc1: {  	[dreg:$0x0] =	wrdreg $0xFFFFFFFF;
	(pc) =	sbr.abs _section_cstart, $3  }
0xc2: {  	[dreg:$0x1] =	wrdreg $0xFFFFFFFF  }
0xc3: {  	_ =	task.clear_ibuf [dreg:s8], $0x2FFFF;
	_ =	strace $0x9FFFFFFF  }
0xc4: {  	(tm) =	ssettm $0x7FFFFFFF  }
0xc5: {  	_ =	shalt  }
tec
execute0_lowered:
.L_overlay_start_1:
0x0: {  	(tag) =	ssettag $0x1  }
0x1: {  	s4 =	rddreg [dreg:$0x0]  }
0x2: {  	s2 =	rddreg [dreg:$0x1]  }
0x3: {  	s1 =	srdreg.scid;
	s0 =	stileid.u32  }
0x4: {  	s8 =	rddreg [dreg:$0x2];
	s3 =	simm.s32 $0x0;
	s13 =	simm.s32 $0x3400  }
0x5: {  	s14 =	simm.s32 $0x9C00;
	s15 =	simm.s32 $0x1;
	s16 =	simm.s32 $0x1A0  }
0x6: {  	s17 =	simm.s32 $0x10400;
	s18 =	simm.s32 $0x2;
	s19 =	simm.s32 $0x270  }
0x7: {  	s20 =	simm.s32 $0x16C00;
	s21 =	simm.s32 $0x3;
	s22 =	simm.s32 $0x5  }
0x8: {  	s23 =	simm.s32 $0x4;
	s7 =	sand.u32 $0x1, s1;
	s5 =	sshll.u32 s0, $0x1  }
0x9: {  	s24 =	simm.s32 $0x6;
	s30 =	smul.u32 $0x68000, s0;
	s5 =	sor.u32 s7, s5  }
0xa: {  	s25 =	simm.s32 $0x7;
	s26 =	simm.s32 $0x8;
	s6 =	smul.u32 $0x3400, s5  }
0xb: {  	s28 =	simm.s32 $0x0;
	s9 =	ssub.s32 $0x2, s7;
	s11 =	smul.u32 $0x34000, s5  }
0xc: {  	[smem:$0x7FF] =	sst s3;
	s10 =	sshrl.u32 s9, $0x1;
	s29 =	smul.u32 $0x1A0000, s5  }
0xd: {  	_ =	strace $0x80000047;
	s12 =	smul.u32 $0x34000, s7;
	s9 =	ssub.s32 s9, s10  }
0xe: {  	s6 =	sshrl.u32 s6, $0x3;
	s5 =	sadd.s32 s8, s11;
	s10 =	sshrl.u32 s29, $0x3  }
0xf: {  	s11 =	sadd.s32 s30, s8;
	s9 =	smax.u32 s9, $0x1;
	s4 =	sadd.s32 s6, s4  }
0x10: {  	s6 =	sadd.s32 $0xD00, s5;
	s7 =	sadd.s32 $0x1A00, s5;
	s10 =	sadd.s32 s8, s10  }
0x11: {  	s31 =	sadd.s32 s12, s11;
	s11 =	simm.s32 $0x9;
	s12 =	simm.s32 $0xD0  }
0x12: {  	s4 =	sadd.s32 $0x800, s4;
	s8 =	sadd.s32 $0x33300, s10;
	s10 =	sadd.s32 $0x2700, s31  }
.LBB2_1:
0x13: {  	[tilespmem:s3], [sflag:$0x9] =	stream.linear.gather [hbm4b:s4+s3], $0x3400, $0x38;
	[tilespmem:$0x1D400] =	vst v63  }
0x14: {  	_ =	swait.ge [sflag:s11], $0x3400  }
0x15: {  	[sflag:s11] =	ssyncset.done $0x0  }
0x16: {  	[sflag:s11] =	ssyncadd.s32 $0xFFFFCC00  }
0x17: {  	[tilespmem:s13], [sflag:$0x1] =	stream.indirect.gather [hbm4b:s2+s12], $0x80, s3, s12, $0xb8;
	[tilespmem:$0x1D400] =	vst v63  }
0x18: {  	_ = 	snop  }
0x19: {  	[tilespmem:s14], [sflag:$0x2] =	stream.indirect.gather [hbm4b:s2+s12], $0x80, s12, s12, $0xb8;
	[tilespmem:$0x1D400] =	vst v63  }
0x1a: {  	_ =	swait.ge [sflag:s15], $0x6800  }
0x1b: {  	[sflag:s15] =	ssyncset.done $0x0  }
0x1c: {  	[sflag:s15] =	ssyncadd.s32 $0xFFFF9800  }
0x1d: {  	[hbm4b:s5+s3] =	stream.linear.scatter [tilespmem:s13], [sflag:$0x5], $0x6800, $0x38;
	[tilespmem:$0x1D400] =	vst v63  }
0x1e: {  	_ = 	snop  }
0x1f: {  	[tilespmem:s17], [sflag:$0x3] =	stream.indirect.gather [hbm4b:s2+s12], $0x80, s16, s12, $0xb8;
	[tilespmem:$0x1D400] =	vst v63  }
0x20: {  	_ =	swait.ge [sflag:s18], $0x6800  }
0x21: {  	[sflag:s18] =	ssyncset.done $0x0  }
0x22: {  	[sflag:s18] =	ssyncadd.s32 $0xFFFF9800  }
0x23: {  	[hbm4b:s6+s3] =	stream.linear.scatter [tilespmem:s14], [sflag:$0x6], $0x6800, $0x38;
	[tilespmem:$0x1D400] =	vst v63  }
0x24: {  	_ = 	snop  }
0x25: {  	[tilespmem:s20], [sflag:$0x4] =	stream.indirect.gather [hbm4b:s2+s12], $0x80, s19, s12, $0xb8;
	[tilespmem:$0x1D400] =	vst v63  }
0x26: {  	_ =	swait.ge [sflag:s21], $0x6800  }
0x27: {  	[sflag:s21] =	ssyncset.done $0x0  }
0x28: {  	[sflag:s21] =	ssyncadd.s32 $0xFFFF9800  }
0x29: {  	[hbm4b:s7+s3] =	stream.linear.scatter [tilespmem:s17], [sflag:$0x7], $0x6800, $0x38;
	[tilespmem:$0x1D400] =	vst v63  }
0x2a: {  	_ =	swait.ge [sflag:s22], $0x6800  }
0x2b: {  	[sflag:s22] =	ssyncset.done $0x0  }
0x2c: {  	s29 =	simm.s32 $0x340;
	[sflag:s22] =	ssyncadd.s32 $0xFFFF9800  }
0x2d: {  	[tilespmem:s13], [sflag:$0x1] =	stream.indirect.gather [hbm4b:s2+s12], $0x80, s29, s12, $0xb8;
	[tilespmem:$0x1D400] =	vst v63  }
0x2e: {  	_ =	swait.ge [sflag:s23], $0x6800  }
0x2f: {  	[sflag:s23] =	ssyncset.done $0x0  }
0x30: {  	[sflag:s23] =	ssyncadd.s32 $0xFFFF9800  }
0x31: {  	[hbm4b:s10+s3] =	stream.linear.scatter [tilespmem:s20], [sflag:$0x8], $0x6800, $0x38;
	[tilespmem:$0x1D400] =	vst v63  }
0x32: {  	_ =	swait.ge [sflag:s24], $0x6800  }
0x33: {  	[sflag:s24] =	ssyncset.done $0x0  }
0x34: {  	s29 =	simm.s32 $0x410;
	[sflag:s24] =	ssyncadd.s32 $0xFFFF9800  }
0x35: {  	[tilespmem:s14], [sflag:$0x2] =	stream.indirect.gather [hbm4b:s2+s12], $0x80, s29, s12, $0xb8;
	[tilespmem:$0x1D400] =	vst v63  }
0x36: {  	_ =	swait.ge [sflag:s15], $0x6800  }
0x37: {  	[sflag:s15] =	ssyncset.done $0x0  }
0x38: {  	s29 =	sadd.s32 $0xD00, s10;
	[sflag:s15] =	ssyncadd.s32 $0xFFFF9800  }
0x39: {  	[hbm4b:s29+s3] =	stream.linear.scatter [tilespmem:s13], [sflag:$0x5], $0x6800, $0x38;
	[tilespmem:$0x1D400] =	vst v63  }
0x3a: {  	_ =	swait.ge [sflag:s25], $0x6800  }
0x3b: {  	[sflag:s25] =	ssyncset.done $0x0  }
0x3c: {  	s29 =	simm.s32 $0x4E0;
	[sflag:s25] =	ssyncadd.s32 $0xFFFF9800  }
0x3d: {  	[tilespmem:s17], [sflag:$0x3] =	stream.indirect.gather [hbm4b:s2+s12], $0x80, s29, s12, $0xb8;
	[tilespmem:$0x1D400] =	vst v63  }
0x3e: {  	_ =	swait.ge [sflag:s18], $0x6800  }
0x3f: {  	[sflag:s18] =	ssyncset.done $0x0  }
0x40: {  	s29 =	sadd.s32 $0x1A00, s10;
	[sflag:s18] =	ssyncadd.s32 $0xFFFF9800  }
0x41: {  	[hbm4b:s29+s3] =	stream.linear.scatter [tilespmem:s14], [sflag:$0x6], $0x6800, $0x38;
	[tilespmem:$0x1D400] =	vst v63  }
0x42: {  	_ =	swait.ge [sflag:s26], $0x6800  }
0x43: {  	[sflag:s26] =	ssyncset.done $0x0  }
0x44: {  	s29 =	simm.s32 $0x5B0;
	[sflag:s26] =	ssyncadd.s32 $0xFFFF9800  }
0x45: {  	[tilespmem:s20], [sflag:$0x4] =	stream.indirect.gather [hbm4b:s2+s12], $0x80, s29, s12, $0xb8;
	[tilespmem:$0x1D400] =	vst v63  }
0x46: {  	_ =	swait.ge [sflag:s21], $0x6800  }
0x47: {  	s31 =	sadd.s32 $0x2700, s10;
	[sflag:s21] =	ssyncset.done $0x0  }
0x48: {  	s30 =	sadd.s32 $0x3400, s10;
	s29 =	simm.s32 $0xD00;
	[sflag:s21] =	ssyncadd.s32 $0xFFFF9800  }
.LBB2_2:
0x49: {  	[hbm4b:s31+s3] =	stream.linear.scatter [tilespmem:s17], [sflag:$0x7], $0x6800, $0x38;
	[tilespmem:$0x1D400] =	vst v63  }
0x4a: {  	s31 =	smov.u32 s29  }
0x4b: {  	p0 =	sne.s32 s29, $0xB600;
	s29 =	sadd.s32 $0xD00, s29;
	_ =	swait.ge [sflag:s22], $0x6800  }
0x4c: {  	s31 =	sshra.s32 s31, $0x2;
	[sflag:s22] =	ssyncset.done $0x0  }
0x4d: {  	s1 =	sadd.s32 $0x340, s31;
	[sflag:s22] =	ssyncadd.s32 $0xFFFF9800  }
0x4e: {  	[tilespmem:s13], [sflag:$0x1] =	stream.indirect.gather [hbm4b:s2+s12], $0x80, s1, s12, $0xb8;
	[tilespmem:$0x1D400] =	vst v63  }
0x4f: {  	_ =	swait.ge [sflag:s23], $0x6800  }
0x50: {  	[sflag:s23] =	ssyncset.done $0x0  }
0x51: {  	[sflag:s23] =	ssyncadd.s32 $0xFFFF9800  }
0x52: {  	[hbm4b:s30+s3] =	stream.linear.scatter [tilespmem:s20], [sflag:$0x8], $0x6800, $0x38;
	[tilespmem:$0x1D400] =	vst v63  }
0x53: {  	_ =	swait.ge [sflag:s24], $0x6800  }
0x54: {  	[sflag:s24] =	ssyncset.done $0x0  }
0x55: {  	s1 =	sadd.s32 $0x410, s31;
	[sflag:s24] =	ssyncadd.s32 $0xFFFF9800  }
0x56: {  	[tilespmem:s14], [sflag:$0x2] =	stream.indirect.gather [hbm4b:s2+s12], $0x80, s1, s12, $0xb8;
	[tilespmem:$0x1D400] =	vst v63  }
0x57: {  	_ =	swait.ge [sflag:s15], $0x6800  }
0x58: {  	[sflag:s15] =	ssyncset.done $0x0  }
0x59: {  	s1 =	sadd.s32 $0xD00, s30;
	[sflag:s15] =	ssyncadd.s32 $0xFFFF9800  }
0x5a: {  	[hbm4b:s1+s3] =	stream.linear.scatter [tilespmem:s13], [sflag:$0x5], $0x6800, $0x38;
	[tilespmem:$0x1D400] =	vst v63  }
0x5b: {  	_ =	swait.ge [sflag:s25], $0x6800  }
0x5c: {  	[sflag:s25] =	ssyncset.done $0x0  }
0x5d: {  	s1 =	sadd.s32 $0x4E0, s31;
	[sflag:s25] =	ssyncadd.s32 $0xFFFF9800  }
0x5e: {  	[tilespmem:s17], [sflag:$0x3] =	stream.indirect.gather [hbm4b:s2+s12], $0x80, s1, s12, $0xb8;
	[tilespmem:$0x1D400] =	vst v63  }
0x5f: {  	_ =	swait.ge [sflag:s18], $0x6800  }
0x60: {  	[sflag:s18] =	ssyncset.done $0x0  }
0x61: {  	s1 =	sadd.s32 $0x1A00, s30;
	[sflag:s18] =	ssyncadd.s32 $0xFFFF9800  }
0x62: {  	[hbm4b:s1+s3] =	stream.linear.scatter [tilespmem:s14], [sflag:$0x6], $0x6800, $0x38;
	[tilespmem:$0x1D400] =	vst v63  }
0x63: {  	_ =	swait.ge [sflag:s26], $0x6800  }
0x64: {  	[sflag:s26] =	ssyncset.done $0x0  }
.Ltmp0:
0x65: {  	s1 =	sadd.s32 $0x5B0, s31;
	[sflag:s26] =	ssyncadd.s32 $0xFFFF9800;
	(pc) =	sbr.rel @p0 .LBB2_2-.Ltmp0, $4  }
0x66: {  	[tilespmem:s20], [sflag:$0x4] =	stream.indirect.gather [hbm4b:s2+s12], $0x80, s1, s12, $0xb8;
	[tilespmem:$0x1D400] =	vst v63  }
0x67: {  	_ =	swait.ge [sflag:s21], $0x6800  }
0x68: {  	[sflag:s21] =	ssyncset.done $0x0  }
0x69: {  	s31 =	sadd.s32 $0x2700, s30;
	s30 =	sadd.s32 $0x3400, s30;
	[sflag:s21] =	ssyncadd.s32 $0xFFFF9800  }
0x6a: {  	[hbm4b:s31+s3] =	stream.linear.scatter [tilespmem:s17], [sflag:$0x7], $0x6800, $0x38;
	[tilespmem:$0x1D400] =	vst v63  }
0x6b: {  	_ =	swait.ge [sflag:s23], $0x6800  }
0x6c: {  	[sflag:s23] =	ssyncset.done $0x0  }
0x6d: {  	[sflag:s23] =	ssyncadd.s32 $0xFFFF9800  }
0x6e: {  	[hbm4b:s8+s3] =	stream.linear.scatter [tilespmem:s20], [sflag:$0x8], $0x6800, $0x38;
	[tilespmem:$0x1D400] =	vst v63  }
0x6f: {  	_ =	swait.ge [sflag:s22], $0x6800  }
0x70: {  	[sflag:s22] =	ssyncset.done $0x0  }
0x71: {  	[sflag:s22] =	ssyncadd.s32 $0xFFFF9800  }
0x72: {  	_ =	swait.ge [sflag:s24], $0x6800  }
0x73: {  	[sflag:s24] =	ssyncset.done $0x0  }
0x74: {  	s28 =	sadd.s32 $0x1, s28;
	[sflag:s24] =	ssyncadd.s32 $0xFFFF9800  }
0x75: {  	p0 =	sne.s32 s28, s9;
	_ =	swait.ge [sflag:s25], $0x6800  }
.Ltmp1:
0x76: {  	[sflag:s25] =	ssyncset.done $0x0;
	(pc) =	sbr.rel @p0 .LBB2_1-.Ltmp1, $4  }
0x77: {  	[sflag:s25] =	ssyncadd.s32 $0xFFFF9800  }
0x78: {  	_ =	swait.ge [sflag:s26], $0x6800  }
0x79: {  	[sflag:s26] =	ssyncset.done $0x0  }
0x7a: {  	[sflag:s26] =	ssyncadd.s32 $0xFFFF9800  }
0x7b: {  	_ =	sfence.sel $0x180000  }
0x7c: {  	[bflag:$0x0] =	sbarrier.arrive $0xFFFF  }
0x7d: {  	_ =	strace $0x90000047  }
0x7e: {  	[bflag:$0x2] =	sbarrier.arrive $0xFFFF  }
0x7f: {  	p0 =	sne.s32 s0, $0x0;
	s0 =	rddreg [dreg:$0x3]  }
0x80: {  	s0 =	sadd.s32 @!p0 $0x100000, s0  }
0x81: {  	[sflag:s0] =	ssyncadd.tile.s32 @!p0 $0x1;
	_ =	shalt  }
.Lfunc_end2:
_tile_overlayer_lowered:
.L_overlay_start_2:
0x82: {  	(tag) =	ssettag $0x2  }
0x83: {  	s0 =	rddreg [dreg:$0x0];
	s2 =	stileid.u32  }
0x84: {  	s1 =	rddreg [dreg:$0x1];
	p0 =	sne.s32 s2, $0x0  }
0x85: {  	s3 =	rddreg [dreg:$0x2];
	[bflag:$0x3] =	sbarrier.arrive $0xFFFF;
	s2 =	simm.s32 @!p0 $0x1C09  }
0x86: {  	[timem:s3], [sflag:s2] =	dma.local @!p0 [hbm:s0], s1  }
0x87: {  	s0 =	simm.s32 @!p0 $0x9  }
0x88: {  	_ =	swait.ge @!p0 [sflag:s0], s1  }
0x89: {  	s1 =	ssub.s32 @!p0 $0x0, s1;
	[sflag:s0] =	ssyncset.done @!p0 $0x0  }
0x8a: {  	[sflag:s0] =	ssyncadd.s32 @!p0 s1  }
0x8b: {  	[bflag:$0x3] =	sbarrier.arrive $0xFFFF  }
0x8c: {  	_ =	shalt  }

// kernel: sparse-core-data-format-call.cloned.1.call-start
scs
called_computation_lowered:
.L_overlay_start_0:
0x0: {  	s2 =	sld [smem:$0x3FD9]  }
0x1: {  	s3 =	sld [smem:$0x3FFE];
	_ =	sdelay $0x1  }
0x2: {  	s1 =	srdreg.scid  }
0x3: {  	s0 =	sand.u32 $0x1, s1  }
0x4: {  	s18 =	sshll.u32 s0, $0xA;
	s2 =	sadd.s32 s3, s2  }
0x5: {  	s2 =	sadd.s32 s2, s18  }
0x6: {  	[smem:$0x3FC6] =	sst s2  }
0x7: {  	_ = 	snop  }
0x8: {  	s2 =	sld [smem:$0x3FD0];
	(tm) =	ssettm $0x1  }
0x9: {  	s19 =	sld [smem:$0x3FFB];
	_ =	sdelay $0x3  }
0xa: {  	_ =	strace s19  }
0xb: {  	s3 =	sld [smem:$0x3FFC];
	_ =	sdelay $0x3  }
0xc: {  	_ =	strace s3  }
0xd: {  	s3 =	sld [smem:$0x3FFD];
	_ =	sdelay $0x3  }
0xe: {  	_ =	strace s3  }
0xf: {  	_ =	strace $0x8FFFFFFF  }
0x10: {  	s20 =	sld [smem:$0x3FDB];
	_ =	sdelay $0x1  }
0x11: {  	s4 =	simm.s32 $_scs_section_size  }
0x12: {  	s5 =	simm.s32 $_size__tile_overlayer_lowered;
	s6 =	simm.s32 $_tile_overlayer_lowered  }
0x13: {  	s23 =	simm.s32 $0x1BFF;
	s22 =	sshll.u32 s6, $0x1;
	s3 =	sadd.s32 s4, s20  }
0x14: {  	s7 =	simm.s32 $0x0;
	s21 =	sshll.u32 s5, $0x1;
	s5 =	sadd.s32 s22, s3  }
0x15: {  	[timem:s7], [sflag:s23] =	dma.local [hbm:s5], s21  }
0x16: {  	_ =	swait.ge [sflag:s23], s21  }
0x17: {  	s4 =	ssub.s32 $0x0, s21;
	[sflag:s23] =	ssyncset.done $0x0  }
0x18: {  	[sflag:s23] =	ssyncadd.s32 s4;
	_ =	sdelay $0x1  }
0x19: {  	s24 =	simm.s32 $0x1B8B  }
0x1a: {  	_ =	swait.ge [sflag:s24], $0x1  }
0x1b: {  	[sflag:s24] =	ssyncset.done $0x0  }
0x1c: {  	s26 =	simm.s32 $0x1B8E;
	s25 =	sld [smem:$0x3FFE];
	[sflag:s24] =	ssyncadd.s32 $0xFFFFFFFF  }
0x1d: {  	s27 =	simm.s32 $execute0_lowered;
	[smem:$0x3FD2] =	sst s26  }
0x1e: {  	s5 =	sshll.u32 s27, $0x1;
	_ =	strace $0x80000049;
	[dreg:$0x1] =	wrdreg $0xFFFFFFFF  }
0x1f: {  	s28 =	simm.s32 $_size_execute0_lowered;
	s3 =	sadd.s32 s3, s5;
	[dreg:$0x0] =	wrdreg $0x0  }
0x20: {  	s5 =	sshll.u32 s28, $0x1;
	[dreg:$0x2] =	wrdreg s3  }
0x21: {  	[dreg:$0x3] =	wrdreg s5  }
0x22: {  	[dreg:$0x4] =	wrdreg $0xC0  }
0x23: {  	_ =	task [dreg:s7], $0x5FFFF  }
0x24: {  	[dreg:$0x1] =	wrdreg $0xFFFFFFFF  }
0x25: {  	[dreg:$0x0] =	wrdreg $0x60  }
0x26: {  	[dreg:$0x2] =	wrdreg s25  }
0x27: {  	[dreg:$0x3] =	wrdreg s2  }
0x28: {  	[dreg:$0x4] =	wrdreg $0x9  }
0x29: {  	_ =	task.clear_ibuf [dreg:s7], $0x5FFFF;
	_ =	strace $0x90000049  }
0x2a: {  	s29 =	simm.s32 $0x9;
	_ =	strace $0x8000004B  }
0x2b: {  	_ =	swait.ge [sflag:s29], $0x1  }
0x2c: {  	[sflag:s29] =	ssyncadd.s32 $0xFFFFFFFF  }
0x2d: {  	_ =	strace $0x9000004B  }
0x2e: {  	_ =	sfence  }
0x2f: {  	s30 =	sld [smem:$0x0];
	_ =	sdelay $0x2  }
0x30: {  	s31 =	sshll.u32 s1, $0xD;
	s1 =	sshrl.u32 s1, $0x2  }
0x31: {  	s3 =	sand.u32 $0x4000, s31;
	s1 =	sadd.s32 s1, s30  }
0x32: {  	s0 =	sor.u32 s3, s0;
	s1 =	sshll.u32 s1, $0x11  }
0x33: {  	s0 =	sor.u32 s1, s0  }
0x34: {  	s0 =	sadd.s32 $0x8F2B, s0  }
0x35: {  	[sflag:s0] =	ssyncadd.remote.s32 $0x1  }
0x36: {  	_ =	sfence.sel $0xFFFF  }
0x37: {  	[dreg:$0x0] =	wrdreg $0xFFFFFFFF;
	(pc) =	sbr.abs _section_cstart, $3  }
0x38: {  	[dreg:$0x1] =	wrdreg $0xFFFFFFFF  }
0x39: {  	_ =	task.clear_ibuf [dreg:s7], $0x2FFFF;
	_ =	strace $0x9FFFFFFF  }
0x3a: {  	(tm) =	ssettm $0x7FFFFFFF  }
0x3b: {  	_ =	shalt  }
tec
execute0_lowered:
.L_overlay_start_1:
0x0: {  	(tag) =	ssettag $0x1  }
0x1: {  	s0 =	srdreg.scid  }
0x2: {  	s1 =	sshll.u32 s0, $0x4  }
0x3: {  	s0 =	stileid.u32;
	s1 =	sand.u32 $0x10, s1  }
0x4: {  	s1 =	sor.u32 s0, s1  }
0x5: {  	s6 =	rddreg [dreg:$0x0];
	s4 =	simm.s32 $0x1;
	s2 =	sshll.u32 s1, $0x6  }
0x6: {  	s7 =	simm.s32 $0x2;
	s13 =	simm.s32 $0x0;
	s1 =	ssub.s32 $0x4000, s2  }
0x7: {  	s8 =	simm.s32 $0x2000;
	s9 =	simm.s32 $0x200000;
	s3 =	sand.u32 $0x7C0, s1  }
0x8: {  	s14 =	simm.s32 $0x0;
	s5 =	sshrl.u32 s1, $0xB;
	p0 =	sne.s32 s3, $0x0  }
.Ltmp0:
0x9: {  	s1 =	rddreg [dreg:$0x2];
	s4 =	simm.s32 @!p0 $0x0;
	(pc) =	sbr.rel .LBB1_1-.Ltmp0, $4  }
0xa: {  	s10 =	simm.s32 $0x0;
	s3 =	rddreg [dreg:$0x1];
	s5 =	sadd.s32 s4, s5  }
0xb: {  	_ =	strace $0x8000004A;
	s4 =	simm.s32 $0x1;
	s5 =	smul.u32 $0xD, s5  }
0xc: {  	s12 =	simm.s32 $0x0;
	s6 =	sadd.s32 $0x800, s6;
	[sflag:s4] =	ssyncpa.u1 $0x0  }
0xd: {  	s11 =	smov.u32 s2;
	[sflag:s7] =	ssyncpa.u1 $0x0;
	s7 =	sadd.s32 $0x1, s5  }
.LBB1_7:
0xe: {  	s15 =	sadd.s32 $0x2, s10  }
0xf: {  	s13 =	sadd.s32 $0x800, s11;
	s17 =	smov.u32 s11;
	p1 =	sgt.s32 s15, $0x19  }
0x10: {  	s17 =	smov.u32 @p1 s13  }
0x11: {  	s15 =	simm.s32 @p1 $0x0;
	p1 =	sgt.s32 s17, $0x3FFF  }
0x12: {  	s17 =	smov.u32 @p1 s2;
	p1 =	sne.s32 s12, s7  }
.Ltmp1:
0x13: {  	p0 =	slt.u32 s12, $0x2;
	(pc) =	sbr.rel @!p1 .LBB1_8-.Ltmp1, $4  }
0x14: {  	s16 =	simm.s32 @!p0 $0x2  }
0x15: {  	s14 =	smov.u32 s11;
	_ =	swait.ge @!p0 [sflag:s16], $0x4000  }
0x16: {  	s13 =	smov.u32 s10;
	[sflag:s16] =	ssyncset.done @!p0 $0x0;
	s10 =	smov.u32 s15  }
0x17: {  	s12 =	sadd.s32 $0x1, s12;
	[sflag:s16] =	ssyncadd.s32 @!p0 $0xFFFFC000;
	s11 =	smov.u32 s17  }
.LBB1_1:
0x18: {  	p0 =	sge.u32 s12, s5  }
0x19: {  	s31 =	sadd.s32 $0xFFFFFFFF, s12;
	s15 =	sxor.u32 @!p0 $0xFFFFFFFF, s12  }
0x1a: {  	s16 =	sshll.u32 @!p0 s11, $0x9;
	s17 =	sshll.u32 @!p0 s10, $0x4;
	s18 =	simm.s32 @!p0 $0x1000  }
0x1b: {  	s15 =	sshll.u32 @!p0 s15, $0xE;
	s17 =	sand.u32 @!p0 $0x1F0, s17;
	s16 =	sadd.s32 @!p0 s6, s16  }
0x1c: {  	s15 =	sand.u32 @!p0 $0x4000, s15;
	s16 =	sadd.s32 @!p0 s17, s16;
	s17 =	simm.s32 @!p0 $0x100  }
0x1d: {  	[tilespmem:s15], [sflag:$0x1] =	stream.strided.gather @!p0 [hbm4b:s16+s17], $0x4000, s18, s17, $0x38;
	[tilespmem:$0x10000] =	vst v63  }
0x1e: {  	p0 =	sge.u32 s31, s5  }
.Ltmp2:
0x1f: {  	_ = 	snop;
	(pc) =	sbr.rel @p0 .LBB1_7-.Ltmp2, $1  }
0x20: {  	_ =	sdelay $0x3  }
0x21: {  	_ =	swait.ge [sflag:s4], $0x4000;
	s15 =	sshll.u32 s12, $0xE  }
0x22: {  	[sflag:s4] =	ssyncset.done $0x0;
	s16 =	sand.u32 $0x4000, s15  }
0x23: {  	s17 =	simm.s32 $0x0;
	[sflag:s4] =	ssyncadd.s32 $0xFFFFC000;
	s15 =	sor.u32 $0x8000, s16  }
.LBB1_3:
0x24: {  	s18 =	sshll.u32 s17, $0x8  }
0x25: {  	s18 =	sand.u32 $0x3FFFFF00, s18  }
0x26: {  	s19 =	sshll.u32 s17, $0x7;
	s18 =	sadd.s32 s18, s16  }
0x27: {  	s19 =	sand.u32 $0x3FFFFF80, s19;
	v0 =	vmov s18  }
0x28: {  	s19 =	sadd.s32 s19, s15  }
0x29: {  	p0 =	por $0x1, $0x1;
	v1 =	vmov s19;
	s18 =	simm.s32 $0x0  }
.LBB1_4:
0x2a: {  	s19 =	sshll.u32 s18, $0x7  }
0x2b: {  	s19 =	sand.u32 $0x3FFFFF80, s19  }
0x2c: {  	v2 =	vld.idx.msk [tilespmem:v0+s19+$0x0 ss:$0x1], $0xffff  }
0x2d: {  	v3 =	vld.idx.msk [tilespmem:v0+s19+$0x10 ss:$0x1], $0xffff  }
0x2e: {  	v4 =	vld.idx.msk [tilespmem:v0+s19+$0x20 ss:$0x1], $0xffff  }
0x2f: {  	s31 =	sshll.u32 s18, $0xD;
	v5 =	vld.idx.msk [tilespmem:v0+s19+$0x30 ss:$0x1], $0xffff  }
0x30: {  	s18 =	sand.u32 $0x3FFFE000, s31;
	v6 =	vld.idx.msk [tilespmem:v0+s19+$0x40 ss:$0x1], $0xffff  }
0x31: {  	v63 =	vld.idx.msk [tilespmem:v0+s19+$0x70 ss:$0x1], $0xffff;
	[tilespmem:v1+s18+$0x0 ss:$0x1] =	vst.idx.msk $0xffff, v2  }
0x32: {  	v2 =	vld.idx.msk [tilespmem:v0+s19+$0x50 ss:$0x1], $0xffff;
	[tilespmem:v1+s18+$0x10 ss:$0x1] =	vst.idx.msk $0xffff, v3  }
0x33: {  	p1 =	por p0, p0;
	v3 =	vld.idx.msk [tilespmem:v0+s19+$0x60 ss:$0x1], $0xffff;
	[tilespmem:v1+s18+$0x20 ss:$0x1] =	vst.idx.msk $0xffff, v4  }
.Ltmp3:
0x34: {  	[tilespmem:v1+s18+$0x30 ss:$0x1] =	vst.idx.msk $0xffff, v5;
	(pc) =	sbr.rel @p1 .LBB1_4-.Ltmp3, $4  }
0x35: {  	[tilespmem:v1+s18+$0x40 ss:$0x1] =	vst.idx.msk $0xffff, v6  }
0x36: {  	[tilespmem:v1+s18+$0x70 ss:$0x1] =	vst.idx.msk $0xffff, v63  }
0x37: {  	[tilespmem:v1+s18+$0x50 ss:$0x1] =	vst.idx.msk $0xffff, v2  }
0x38: {  	p0 =	por $0x0, $0x0;
	[tilespmem:v1+s18+$0x60 ss:$0x1] =	vst.idx.msk $0xffff, v3;
	s18 =	simm.s32 $0x1  }
0x39: {  	s17 =	sadd.s32 $0x1, s17  }
0x3a: {  	p0 =	sne.s32 s17, $0x40  }
.Ltmp4:
0x3b: {  	_ = 	snop;
	(pc) =	sbr.rel @p0 .LBB1_3-.Ltmp4, $1  }
0x3c: {  	_ =	sdelay $0x3  }
.Ltmp5:
0x3d: {  	s14 =	sshll.u32 s14, $0x4;
	(pc) =	sbr.rel .LBB1_7-.Ltmp5, $4  }
0x3e: {  	s14 =	sand.u32 $0x3FFF0, s14  }
0x3f: {  	s13 =	sshll.u32 s13, $0x12;
	s14 =	sadd.s32 s3, s14  }
0x40: {  	s13 =	sadd.s32 s13, s14  }
0x41: {  	[hbm4b:s13+s8] =	stream.strided.scatter [tilespmem:s15], [sflag:$0x2], $0x4000, s9, s8, $0x38;
	[tilespmem:$0x10000] =	vst v63  }
.LBB1_8:
0x42: {  	_ =	sfence.sel $0x180000  }
0x43: {  	s2 =	simm.s32 $0x1;
	[bflag:$0x0] =	sbarrier.arrive $0xFFFF  }
0x44: {  	s31 =	simm.s32 $0x2;
	[sflag:s2] =	ssyncpa.u1 $0x1  }
0x45: {  	[sflag:s31] =	ssyncpa.u1 $0x1  }
0x46: {  	p0 =	sne.s32 s0, $0x0;
	_ =	strace $0x9000004A  }
0x47: {  	s0 =	sadd.s32 @!p0 $0x100000, s1;
	[bflag:$0x2] =	sbarrier.arrive $0xFFFF  }
0x48: {  	[sflag:s0] =	ssyncadd.tile.s32 @!p0 $0x1;
	_ =	shalt  }
.Lfunc_end1:
_tile_overlayer_lowered:
.L_overlay_start_2:
0x49: {  	(tag) =	ssettag $0x2  }
0x4a: {  	s0 =	rddreg [dreg:$0x0];
	s2 =	stileid.u32  }
0x4b: {  	s1 =	rddreg [dreg:$0x1];
	p0 =	sne.s32 s2, $0x0  }
0x4c: {  	s3 =	rddreg [dreg:$0x2];
	[bflag:$0x3] =	sbarrier.arrive $0xFFFF;
	s2 =	simm.s32 @!p0 $0x1C01  }
0x4d: {  	[timem:s3], [sflag:s2] =	dma.local @!p0 [hbm:s0], s1  }
0x4e: {  	s0 =	simm.s32 @!p0 $0x1  }
0x4f: {  	_ =	swait.ge @!p0 [sflag:s0], s1  }
0x50: {  	s1 =	ssub.s32 @!p0 $0x0, s1;
	[sflag:s0] =	ssyncset.done @!p0 $0x0  }
0x51: {  	[sflag:s0] =	ssyncadd.s32 @!p0 s1  }
0x52: {  	[bflag:$0x3] =	sbarrier.arrive $0xFFFF  }
0x53: {  	_ =	shalt  }

</sc_bundles>
